<compile_context>
chip_gen: v7x
topology: tpu7x:2x2x1
jax: 0.10.2.dev20260603
libtpu: 0.0.44.dev20260713+nightly
codegen_flags: <defaults>
</compile_context>

<pallas_src>
import functools

import jax
import jax.numpy as jnp
from jax import lax
from jax.experimental import pallas as pl
from jax.experimental.pallas import tpu as pltpu

B = 2
S = 4096
D = 1024
K = 512
SBLK = 512
NBLK = S // SBLK
NW = 32
RPW = K // NW


def _imp_body(h_ref, imp_ref):
    h = h_ref[...]
    hh = h * h
    acc = hh[..., 0:128]
    for c in range(1, D // 128):
        acc = acc + hh[..., c * 128:(c + 1) * 128]
    ss = jnp.sum(acc, axis=-1)
    nrm = jnp.sqrt(ss)
    imp_ref[...] = (nrm[0:1, :] + nrm[1:2, :]) * 0.5


def _importance(hidden_states):
    return pl.pallas_call(
        _imp_body,
        grid=(NBLK,),
        in_specs=[pl.BlockSpec((B, SBLK, D), lambda i: (0, i, 0))],
        out_specs=pl.BlockSpec((1, SBLK), lambda i: (0, i)),
        out_shape=jax.ShapeDtypeStruct((1, S), jnp.float32),
    )(hidden_states)


def _make_gather_mean():
    from jax.experimental.pallas import tpu_sc as plsc

    mesh = plsc.VectorSubcoreMesh(core_axis_name="c", subcore_axis_name="s")

    @functools.partial(
        pl.kernel,
        mesh=mesh,
        out_type=jax.ShapeDtypeStruct((K, D), jnp.float32),
        scratch_types=[
            pltpu.VMEM((RPW,), jnp.int32),
            pltpu.VMEM((RPW, D), jnp.float32),
            pltpu.VMEM((RPW, D), jnp.float32),
            pltpu.VMEM((RPW, D), jnp.float32),
            pltpu.SemaphoreType.DMA,
        ],
    )
    def gather_mean(h_hbm, idx_hbm, out_hbm, idx_v, r0, r1, ro, sem):
        wid = lax.axis_index("s") * 2 + lax.axis_index("c")
        base = wid * RPW
        pltpu.sync_copy(idx_hbm.at[pl.ds(base, RPW)], idx_v)
        iv = idx_v[...]
        cp0 = pltpu.async_copy(h_hbm.at[iv], r0, sem)
        cp1 = pltpu.async_copy(h_hbm.at[iv + S], r1, sem)
        cp0.wait()
        cp1.wait()

        nchunk = D // 16

        def body(c, carry):
            col = c * 16
            for j in range(RPW):
                ro[j, pl.ds(col, 16)] = (
                    r0[j, pl.ds(col, 16)] + r1[j, pl.ds(col, 16)]) * 0.5
            return carry

        lax.fori_loop(0, nchunk, body, 0)
        pltpu.sync_copy(ro, out_hbm.at[pl.ds(base, RPW)])

    return gather_mean


_gather_mean_cache = []


def kernel(hidden_states, memory):
    imp = jnp.linalg.norm(hidden_states, axis=-1).mean(axis=0)
    _, idx = jax.lax.top_k(imp, K)
    h2 = hidden_states.reshape(B * S, D)
    if not _gather_mean_cache:
        _gather_mean_cache.append(_make_gather_mean())
    return _gather_mean_cache[0](h2, idx.astype(jnp.int32))

# --- scband reference (transcript-rebuilt; emitter-appended) ---
"""Pipeline reference for scband-simplified-l2-adapter-1795296329755 (READ-ONLY COPY).

The authoritative reference and input builder live on the scoring server;
editing this copy changes nothing except your own understanding.
"""

import jax, jax.numpy as jnp
import numpy as np

MEMORY_SIZE = 512
EMBED_DIM = 1024
BATCH = 2
SEQ = 4096

def setup_inputs(seed: int = 0) -> dict:
    key = jax.random.key(seed)
    hidden_states = jax.random.normal(key, (BATCH, SEQ, EMBED_DIM), dtype=jnp.float32)
    # learned parameter: working-memory table, initialized to zeros as in nn.Parameter(torch.zeros(...))
    memory = jnp.zeros((MEMORY_SIZE, EMBED_DIM), dtype=jnp.float32)
    return {"hidden_states": hidden_states, "memory": memory}

def reference(hidden_states, memory):
    # importance = ||h||_2 over feature dim, averaged over batch -> [S]
    importance = jnp.linalg.norm(hidden_states, axis=-1).mean(axis=0)
    k = min(memory.shape[0], importance.shape[0])
    # top-k token positions by importance
    _, topk_indices = jax.lax.top_k(importance, k)
    # gather selected tokens and mean over batch -> [k, D]
    selected = jnp.mean(hidden_states[:, topk_indices, :], axis=0)
    # scatter-overwrite into first k memory slots (torch: self.memory.data[i] = ...)
    new_memory = memory.at[jnp.arange(k)].set(selected)
    # sparse_kv = (memory, memory); return updated memory table as the forward output
    return new_memory

if __name__ == "__main__":
    import jax
    _d = setup_inputs()
    print(jax.jit(kernel)(*tuple(_d.values())))

</pallas_src>

<mosaic_0001>
#map = affine_map<(d0, d1) -> (0, 0)>
#map1 = affine_map<(d0, d1) -> (0)>
module attributes {stable_mosaic.version = 14 : i64} {
  func.func @gather_mean(%arg0: i32, %arg1: i32, %arg2: memref<8192x1024xf32, #tpu.memory_space<hbm>>, %arg3: memref<512xi32, #tpu.memory_space<hbm>>, %arg4: memref<512x1024xf32, #tpu.memory_space<hbm>>, %arg5: memref<16xi32, #tpu.memory_space<vmem>>, %arg6: memref<16x1024xf32, #tpu.memory_space<vmem>>, %arg7: memref<16x1024xf32, #tpu.memory_space<vmem>>, %arg8: memref<16x1024xf32, #tpu.memory_space<vmem>>, %arg9: memref<!tpu.dma_semaphore, #tpu.memory_space<semaphore_mem>>) attributes {dimension_semantics = [#tpu.dimension_semantics<core_parallel>, #tpu.dimension_semantics<subcore_parallel>], iteration_bounds = array<i64: 2, 16>, scalar_prefetch = 0 : i64, scratch_operands = 5 : i64, tpu.core_type = #tpu.core_type<sc_vector_subcore>, window_params = [{transform_indices = #map}, {transform_indices = #map1}, {transform_indices = #map}]} {
    %mul3A = arith.constant 2 : i32
    %mul3A_0 = arith.muli %arg1, %mul3A : i32
    %add3A = arith.addi %mul3A_0, %arg0 : i32
    %mul3A_1 = arith.constant 16 : i32
    %mul3A_2 = arith.muli %add3A, %mul3A_1 : i32
    "tpu.region"() ({
      %run_scoped3A = tpu.sem_alloc : memref<!tpu.dma_semaphore, #tpu.memory_space<semaphore_mem>>
      %dma_start3A_23 = tpu.memref_slice %arg3[%mul3A_2] : memref<512xi32, #tpu.memory_space<hbm>> -> memref<16xi32, #tpu.memory_space<hbm>>
      %dma_start3A_24 = tpu.memref_slice %arg3[%mul3A_2] : memref<512xi32, #tpu.memory_space<hbm>> -> memref<16xi32, #tpu.memory_space<hbm>>
      tpu.enqueue_dma source(%dma_start3A_24 : memref<16xi32, #tpu.memory_space<hbm>>) target(%arg5 : memref<16xi32, #tpu.memory_space<vmem>>) target_semaphore(%run_scoped3A : memref<!tpu.dma_semaphore, #tpu.memory_space<semaphore_mem>>)
      %dma_wait3A_25 = tpu.memref_slice %arg3[%mul3A_2] : memref<512xi32, #tpu.memory_space<hbm>> -> memref<16xi32, #tpu.memory_space<hbm>>
      %dma_wait3A_26 = tpu.memref_slice %arg3[%mul3A_2] : memref<512xi32, #tpu.memory_space<hbm>> -> memref<16xi32, #tpu.memory_space<hbm>>
      tpu.wait_dma2 semaphore(%run_scoped3A : memref<!tpu.dma_semaphore, #tpu.memory_space<semaphore_mem>>) src(%dma_wait3A_26 : memref<16xi32, #tpu.memory_space<hbm>>) dst(%arg5 : memref<16xi32, #tpu.memory_space<vmem>>)
      tpu.yield
    }) : () -> ()
    %get3A = arith.constant 0 : index
    %get3A_3 = tpu.vector_load %arg5[%get3A] {strides = array<i32>} : memref<16xi32, #tpu.memory_space<vmem>>, vector<16xi32>,
    %get3A_4 = vector.shape_cast %get3A_3 : vector<16xi32> to vector<16xi32>
    %dma_start3A = arith.constant 0 : i32
    %dma_start3A_5 = arith.constant 0 : i32
    %dma_start3A_6 = tpu.memref_slice %arg2[%dma_start3A, %dma_start3A_5] : memref<8192x1024xf32, #tpu.memory_space<hbm>> -> memref<8192x1024xf32, #tpu.memory_space<hbm>>
    tpu.enqueue_indirect_dma source(%dma_start3A_6 : memref<8192x1024xf32, #tpu.memory_space<hbm>>) target(%arg6 : memref<16x1024xf32, #tpu.memory_space<vmem>>) offsets(%get3A_4 : vector<16xi32>) semaphore(%arg9 : memref<!tpu.dma_semaphore, #tpu.memory_space<semaphore_mem>>)
    %add3A_7 = arith.constant 4096 : i32
    %add3A_8 = vector.broadcast %add3A_7 : i32 to vector<16xi32>
    %add3A_9 = arith.addi %get3A_4, %add3A_8 : vector<16xi32>
    %dma_start3A_10 = arith.constant 0 : i32
    %dma_start3A_11 = arith.constant 0 : i32
    %dma_start3A_12 = tpu.memref_slice %arg2[%dma_start3A_10, %dma_start3A_11] : memref<8192x1024xf32, #tpu.memory_space<hbm>> -> memref<8192x1024xf32, #tpu.memory_space<hbm>>
    tpu.enqueue_indirect_dma source(%dma_start3A_12 : memref<8192x1024xf32, #tpu.memory_space<hbm>>) target(%arg7 : memref<16x1024xf32, #tpu.memory_space<vmem>>) offsets(%add3A_9 : vector<16xi32>) semaphore(%arg9 : memref<!tpu.dma_semaphore, #tpu.memory_space<semaphore_mem>>)
    %dma_wait3A = arith.constant 0 : i32
    %dma_wait3A_13 = arith.constant 0 : i32
    %dma_wait3A_14 = tpu.memref_slice %arg2[%dma_wait3A, %dma_wait3A_13] : memref<8192x1024xf32, #tpu.memory_space<hbm>> -> memref<8192x1024xf32, #tpu.memory_space<hbm>>
    tpu.wait_indirect_dma semaphore(%arg9 : memref<!tpu.dma_semaphore, #tpu.memory_space<semaphore_mem>>) src(%dma_wait3A_14 : memref<8192x1024xf32, #tpu.memory_space<hbm>>) dst(%arg6 : memref<16x1024xf32, #tpu.memory_space<vmem>>)
    %dma_wait3A_15 = arith.constant 0 : i32
    %dma_wait3A_16 = arith.constant 0 : i32
    %dma_wait3A_17 = tpu.memref_slice %arg2[%dma_wait3A_15, %dma_wait3A_16] : memref<8192x1024xf32, #tpu.memory_space<hbm>> -> memref<8192x1024xf32, #tpu.memory_space<hbm>>
    tpu.wait_indirect_dma semaphore(%arg9 : memref<!tpu.dma_semaphore, #tpu.memory_space<semaphore_mem>>) src(%dma_wait3A_17 : memref<8192x1024xf32, #tpu.memory_space<hbm>>) dst(%arg7 : memref<16x1024xf32, #tpu.memory_space<vmem>>)
    %scan3A = arith.constant 0 : i32
    %scan3A_18 = arith.constant 0 : i32
    %scan3A_19 = arith.constant 64 : i32
    %scan3A_20 = arith.addi %scan3A_18, %scan3A_19 : i32
    %scan3A_21 = arith.constant 1 : i32
    scf.for %scan3A_23 = %scan3A_18 to %scan3A_20 step %scan3A_21  : i32 {
      %mul3A_24 = arith.constant 16 : i32
      %mul3A_25 = arith.muli %scan3A_23, %mul3A_24 : i32
      %get3A_26 = arith.constant 0 : i32
      %get3A_27 = arith.index_cast %get3A_26 : i32 to index
      %get3A_28 = arith.index_cast %mul3A_25 : i32 to index
      %get3A_29 = tpu.vector_load %arg6[%get3A_27, %get3A_28] {strides = array<i32>} : memref<16x1024xf32, #tpu.memory_space<vmem>>, vector<1x16xf32>,
      %get3A_30 = vector.shape_cast %get3A_29 : vector<1x16xf32> to vector<16xf32>
      %get3A_31 = arith.constant 0 : i32
      %get3A_32 = arith.index_cast %get3A_31 : i32 to index
      %get3A_33 = arith.index_cast %mul3A_25 : i32 to index
      %get3A_34 = tpu.vector_load %arg7[%get3A_32, %get3A_33] {strides = array<i32>} : memref<16x1024xf32, #tpu.memory_space<vmem>>, vector<1x16xf32>,
      %get3A_35 = vector.shape_cast %get3A_34 : vector<1x16xf32> to vector<16xf32>
      %add3A_36 = arith.addf %get3A_30, %get3A_35 : vector<16xf32>
      %mul3A_37 = arith.constant 5.000000e-01 : f32
      %mul3A_38 = vector.broadcast %mul3A_37 : f32 to vector<16xf32>
      %mul3A_39 = arith.mulf %add3A_36, %mul3A_38 : vector<16xf32>
      %swap3A = arith.constant 0 : i32
      %swap3A_40 = arith.index_cast %swap3A : i32 to index
      %swap3A_41 = arith.index_cast %mul3A_25 : i32 to index
      %swap3A_42 = tpu.vector_load %arg8[%swap3A_40, %swap3A_41] {strides = array<i32>} : memref<16x1024xf32, #tpu.memory_space<vmem>>, vector<1x16xf32>,
      %swap3A_43 = vector.shape_cast %swap3A_42 : vector<1x16xf32> to vector<16xf32>
      %swap3A_44 = vector.shape_cast %mul3A_39 : vector<16xf32> to vector<1x16xf32>
      tpu.vector_store %arg8[%swap3A_40, %swap3A_41], %swap3A_44 {strides = array<i32>} : memref<16x1024xf32, #tpu.memory_space<vmem>>, vector<1x16xf32>,
      %get3A_45 = arith.constant 1 : i32
      %get3A_46 = arith.index_cast %get3A_45 : i32 to index
      %get3A_47 = arith.index_cast %mul3A_25 : i32 to index
      %get3A_48 = tpu.vector_load %arg6[%get3A_46, %get3A_47] {strides = array<i32>} : memref<16x1024xf32, #tpu.memory_space<vmem>>, vector<1x16xf32>,
      %get3A_49 = vector.shape_cast %get3A_48 : vector<1x16xf32> to vector<16xf32>
      %get3A_50 = arith.constant 1 : i32
      %get3A_51 = arith.index_cast %get3A_50 : i32 to index
      %get3A_52 = arith.index_cast %mul3A_25 : i32 to index
      %get3A_53 = tpu.vector_load %arg7[%get3A_51, %get3A_52] {strides = array<i32>} : memref<16x1024xf32, #tpu.memory_space<vmem>>, vector<1x16xf32>,
      %get3A_54 = vector.shape_cast %get3A_53 : vector<1x16xf32> to vector<16xf32>
      %add3A_55 = arith.addf %get3A_49, %get3A_54 : vector<16xf32>
      %mul3A_56 = arith.constant 5.000000e-01 : f32
      %mul3A_57 = vector.broadcast %mul3A_56 : f32 to vector<16xf32>
      %mul3A_58 = arith.mulf %add3A_55, %mul3A_57 : vector<16xf32>
      %swap3A_59 = arith.constant 1 : i32
      %swap3A_60 = arith.index_cast %swap3A_59 : i32 to index
      %swap3A_61 = arith.index_cast %mul3A_25 : i32 to index
      %swap3A_62 = tpu.vector_load %arg8[%swap3A_60, %swap3A_61] {strides = array<i32>} : memref<16x1024xf32, #tpu.memory_space<vmem>>, vector<1x16xf32>,
      %swap3A_63 = vector.shape_cast %swap3A_62 : vector<1x16xf32> to vector<16xf32>
      %swap3A_64 = vector.shape_cast %mul3A_58 : vector<16xf32> to vector<1x16xf32>
      tpu.vector_store %arg8[%swap3A_60, %swap3A_61], %swap3A_64 {strides = array<i32>} : memref<16x1024xf32, #tpu.memory_space<vmem>>, vector<1x16xf32>,
      %get3A_65 = arith.constant 2 : i32
      %get3A_66 = arith.index_cast %get3A_65 : i32 to index
      %get3A_67 = arith.index_cast %mul3A_25 : i32 to index
      %get3A_68 = tpu.vector_load %arg6[%get3A_66, %get3A_67] {strides = array<i32>} : memref<16x1024xf32, #tpu.memory_space<vmem>>, vector<1x16xf32>,
      %get3A_69 = vector.shape_cast %get3A_68 : vector<1x16xf32> to vector<16xf32>
      %get3A_70 = arith.constant 2 : i32
      %get3A_71 = arith.index_cast %get3A_70 : i32 to index
      %get3A_72 = arith.index_cast %mul3A_25 : i32 to index
      %get3A_73 = tpu.vector_load %arg7[%get3A_71, %get3A_72] {strides = array<i32>} : memref<16x1024xf32, #tpu.memory_space<vmem>>, vector<1x16xf32>,
      %get3A_74 = vector.shape_cast %get3A_73 : vector<1x16xf32> to vector<16xf32>
      %add3A_75 = arith.addf %get3A_69, %get3A_74 : vector<16xf32>
      %mul3A_76 = arith.constant 5.000000e-01 : f32
      %mul3A_77 = vector.broadcast %mul3A_76 : f32 to vector<16xf32>
      %mul3A_78 = arith.mulf %add3A_75, %mul3A_77 : vector<16xf32>
      %swap3A_79 = arith.constant 2 : i32
      %swap3A_80 = arith.index_cast %swap3A_79 : i32 to index
      %swap3A_81 = arith.index_cast %mul3A_25 : i32 to index
      %swap3A_82 = tpu.vector_load %arg8[%swap3A_80, %swap3A_81] {strides = array<i32>} : memref<16x1024xf32, #tpu.memory_space<vmem>>, vector<1x16xf32>,
      %swap3A_83 = vector.shape_cast %swap3A_82 : vector<1x16xf32> to vector<16xf32>
      %swap3A_84 = vector.shape_cast %mul3A_78 : vector<16xf32> to vector<1x16xf32>
      tpu.vector_store %arg8[%swap3A_80, %swap3A_81], %swap3A_84 {strides = array<i32>} : memref<16x1024xf32, #tpu.memory_space<vmem>>, vector<1x16xf32>,
      %get3A_85 = arith.constant 3 : i32
      %get3A_86 = arith.index_cast %get3A_85 : i32 to index
      %get3A_87 = arith.index_cast %mul3A_25 : i32 to index
      %get3A_88 = tpu.vector_load %arg6[%get3A_86, %get3A_87] {strides = array<i32>} : memref<16x1024xf32, #tpu.memory_space<vmem>>, vector<1x16xf32>,
      %get3A_89 = vector.shape_cast %get3A_88 : vector<1x16xf32> to vector<16xf32>
      %get3A_90 = arith.constant 3 : i32
      %get3A_91 = arith.index_cast %get3A_90 : i32 to index
      %get3A_92 = arith.index_cast %mul3A_25 : i32 to index
      %get3A_93 = tpu.vector_load %arg7[%get3A_91, %get3A_92] {strides = array<i32>} : memref<16x1024xf32, #tpu.memory_space<vmem>>, vector<1x16xf32>,
      %get3A_94 = vector.shape_cast %get3A_93 : vector<1x16xf32> to vector<16xf32>
      %add3A_95 = arith.addf %get3A_89, %get3A_94 : vector<16xf32>
      %mul3A_96 = arith.constant 5.000000e-01 : f32
      %mul3A_97 = vector.broadcast %mul3A_96 : f32 to vector<16xf32>
      %mul3A_98 = arith.mulf %add3A_95, %mul3A_97 : vector<16xf32>
      %swap3A_99 = arith.constant 3 : i32
      %swap3A_100 = arith.index_cast %swap3A_99 : i32 to index
      %swap3A_101 = arith.index_cast %mul3A_25 : i32 to index
      %swap3A_102 = tpu.vector_load %arg8[%swap3A_100, %swap3A_101] {strides = array<i32>} : memref<16x1024xf32, #tpu.memory_space<vmem>>, vector<1x16xf32>,
      %swap3A_103 = vector.shape_cast %swap3A_102 : vector<1x16xf32> to vector<16xf32>
      %swap3A_104 = vector.shape_cast %mul3A_98 : vector<16xf32> to vector<1x16xf32>
      tpu.vector_store %arg8[%swap3A_100, %swap3A_101], %swap3A_104 {strides = array<i32>} : memref<16x1024xf32, #tpu.memory_space<vmem>>, vector<1x16xf32>,
      %get3A_105 = arith.constant 4 : i32
      %get3A_106 = arith.index_cast %get3A_105 : i32 to index
      %get3A_107 = arith.index_cast %mul3A_25 : i32 to index
      %get3A_108 = tpu.vector_load %arg6[%get3A_106, %get3A_107] {strides = array<i32>} : memref<16x1024xf32, #tpu.memory_space<vmem>>, vector<1x16xf32>,
      %get3A_109 = vector.shape_cast %get3A_108 : vector<1x16xf32> to vector<16xf32>
      %get3A_110 = arith.constant 4 : i32
      %get3A_111 = arith.index_cast %get3A_110 : i32 to index
      %get3A_112 = arith.index_cast %mul3A_25 : i32 to index
      %get3A_113 = tpu.vector_load %arg7[%get3A_111, %get3A_112] {strides = array<i32>} : memref<16x1024xf32, #tpu.memory_space<vmem>>, vector<1x16xf32>,
      %get3A_114 = vector.shape_cast %get3A_113 : vector<1x16xf32> to vector<16xf32>
      %add3A_115 = arith.addf %get3A_109, %get3A_114 : vector<16xf32>
      %mul3A_116 = arith.constant 5.000000e-01 : f32
      %mul3A_117 = vector.broadcast %mul3A_116 : f32 to vector<16xf32>
      %mul3A_118 = arith.mulf %add3A_115, %mul3A_117 : vector<16xf32>
      %swap3A_119 = arith.constant 4 : i32
      %swap3A_120 = arith.index_cast %swap3A_119 : i32 to index
      %swap3A_121 = arith.index_cast %mul3A_25 : i32 to index
      %swap3A_122 = tpu.vector_load %arg8[%swap3A_120, %swap3A_121] {strides = array<i32>} : memref<16x1024xf32, #tpu.memory_space<vmem>>, vector<1x16xf32>,
      %swap3A_123 = vector.shape_cast %swap3A_122 : vector<1x16xf32> to vector<16xf32>
      %swap3A_124 = vector.shape_cast %mul3A_118 : vector<16xf32> to vector<1x16xf32>
      tpu.vector_store %arg8[%swap3A_120, %swap3A_121], %swap3A_124 {strides = array<i32>} : memref<16x1024xf32, #tpu.memory_space<vmem>>, vector<1x16xf32>,
      %get3A_125 = arith.constant 5 : i32
      %get3A_126 = arith.index_cast %get3A_125 : i32 to index
      %get3A_127 = arith.index_cast %mul3A_25 : i32 to index
      %get3A_128 = tpu.vector_load %arg6[%get3A_126, %get3A_127] {strides = array<i32>} : memref<16x1024xf32, #tpu.memory_space<vmem>>, vector<1x16xf32>,
      %get3A_129 = vector.shape_cast %get3A_128 : vector<1x16xf32> to vector<16xf32>
      %get3A_130 = arith.constant 5 : i32
      %get3A_131 = arith.index_cast %get3A_130 : i32 to index
      %get3A_132 = arith.index_cast %mul3A_25 : i32 to index
      %get3A_133 = tpu.vector_load %arg7[%get3A_131, %get3A_132] {strides = array<i32>} : memref<16x1024xf32, #tpu.memory_space<vmem>>, vector<1x16xf32>,
      %get3A_134 = vector.shape_cast %get3A_133 : vector<1x16xf32> to vector<16xf32>
      %add3A_135 = arith.addf %get3A_129, %get3A_134 : vector<16xf32>
      %mul3A_136 = arith.constant 5.000000e-01 : f32
      %mul3A_137 = vector.broadcast %mul3A_136 : f32 to vector<16xf32>
      %mul3A_138 = arith.mulf %add3A_135, %mul3A_137 : vector<16xf32>
      %swap3A_139 = arith.constant 5 : i32
      %swap3A_140 = arith.index_cast %swap3A_139 : i32 to index
      %swap3A_141 = arith.index_cast %mul3A_25 : i32 to index
      %swap3A_142 = tpu.vector_load %arg8[%swap3A_140, %swap3A_141] {strides = array<i32>} : memref<16x1024xf32, #tpu.memory_space<vmem>>, vector<1x16xf32>,
      %swap3A_143 = vector.shape_cast %swap3A_142 : vector<1x16xf32> to vector<16xf32>
      %swap3A_144 = vector.shape_cast %mul3A_138 : vector<16xf32> to vector<1x16xf32>
      tpu.vector_store %arg8[%swap3A_140, %swap3A_141], %swap3A_144 {strides = array<i32>} : memref<16x1024xf32, #tpu.memory_space<vmem>>, vector<1x16xf32>,
      %get3A_145 = arith.constant 6 : i32
      %get3A_146 = arith.index_cast %get3A_145 : i32 to index
      %get3A_147 = arith.index_cast %mul3A_25 : i32 to index
      %get3A_148 = tpu.vector_load %arg6[%get3A_146, %get3A_147] {strides = array<i32>} : memref<16x1024xf32, #tpu.memory_space<vmem>>, vector<1x16xf32>,
      %get3A_149 = vector.shape_cast %get3A_148 : vector<1x16xf32> to vector<16xf32>
      %get3A_150 = arith.constant 6 : i32
      %get3A_151 = arith.index_cast %get3A_150 : i32 to index
      %get3A_152 = arith.index_cast %mul3A_25 : i32 to index
      %get3A_153 = tpu.vector_load %arg7[%get3A_151, %get3A_152] {strides = array<i32>} : memref<16x1024xf32, #tpu.memory_space<vmem>>, vector<1x16xf32>,
      %get3A_154 = vector.shape_cast %get3A_153 : vector<1x16xf32> to vector<16xf32>
      %add3A_155 = arith.addf %get3A_149, %get3A_154 : vector<16xf32>
      %mul3A_156 = arith.constant 5.000000e-01 : f32
      %mul3A_157 = vector.broadcast %mul3A_156 : f32 to vector<16xf32>
      %mul3A_158 = arith.mulf %add3A_155, %mul3A_157 : vector<16xf32>
      %swap3A_159 = arith.constant 6 : i32
      %swap3A_160 = arith.index_cast %swap3A_159 : i32 to index
      %swap3A_161 = arith.index_cast %mul3A_25 : i32 to index
      %swap3A_162 = tpu.vector_load %arg8[%swap3A_160, %swap3A_161] {strides = array<i32>} : memref<16x1024xf32, #tpu.memory_space<vmem>>, vector<1x16xf32>,
      %swap3A_163 = vector.shape_cast %swap3A_162 : vector<1x16xf32> to vector<16xf32>
      %swap3A_164 = vector.shape_cast %mul3A_158 : vector<16xf32> to vector<1x16xf32>
      tpu.vector_store %arg8[%swap3A_160, %swap3A_161], %swap3A_164 {strides = array<i32>} : memref<16x1024xf32, #tpu.memory_space<vmem>>, vector<1x16xf32>,
      %get3A_165 = arith.constant 7 : i32
      %get3A_166 = arith.index_cast %get3A_165 : i32 to index
      %get3A_167 = arith.index_cast %mul3A_25 : i32 to index
      %get3A_168 = tpu.vector_load %arg6[%get3A_166, %get3A_167] {strides = array<i32>} : memref<16x1024xf32, #tpu.memory_space<vmem>>, vector<1x16xf32>,
      %get3A_169 = vector.shape_cast %get3A_168 : vector<1x16xf32> to vector<16xf32>
      %get3A_170 = arith.constant 7 : i32
      %get3A_171 = arith.index_cast %get3A_170 : i32 to index
      %get3A_172 = arith.index_cast %mul3A_25 : i32 to index
      %get3A_173 = tpu.vector_load %arg7[%get3A_171, %get3A_172] {strides = array<i32>} : memref<16x1024xf32, #tpu.memory_space<vmem>>, vector<1x16xf32>,
      %get3A_174 = vector.shape_cast %get3A_173 : vector<1x16xf32> to vector<16xf32>
      %add3A_175 = arith.addf %get3A_169, %get3A_174 : vector<16xf32>
      %mul3A_176 = arith.constant 5.000000e-01 : f32
      %mul3A_177 = vector.broadcast %mul3A_176 : f32 to vector<16xf32>
      %mul3A_178 = arith.mulf %add3A_175, %mul3A_177 : vector<16xf32>
      %swap3A_179 = arith.constant 7 : i32
      %swap3A_180 = arith.index_cast %swap3A_179 : i32 to index
      %swap3A_181 = arith.index_cast %mul3A_25 : i32 to index
      %swap3A_182 = tpu.vector_load %arg8[%swap3A_180, %swap3A_181] {strides = array<i32>} : memref<16x1024xf32, #tpu.memory_space<vmem>>, vector<1x16xf32>,
      %swap3A_183 = vector.shape_cast %swap3A_182 : vector<1x16xf32> to vector<16xf32>
      %swap3A_184 = vector.shape_cast %mul3A_178 : vector<16xf32> to vector<1x16xf32>
      tpu.vector_store %arg8[%swap3A_180, %swap3A_181], %swap3A_184 {strides = array<i32>} : memref<16x1024xf32, #tpu.memory_space<vmem>>, vector<1x16xf32>,
      %get3A_185 = arith.constant 8 : i32
      %get3A_186 = arith.index_cast %get3A_185 : i32 to index
      %get3A_187 = arith.index_cast %mul3A_25 : i32 to index
      %get3A_188 = tpu.vector_load %arg6[%get3A_186, %get3A_187] {strides = array<i32>} : memref<16x1024xf32, #tpu.memory_space<vmem>>, vector<1x16xf32>,
      %get3A_189 = vector.shape_cast %get3A_188 : vector<1x16xf32> to vector<16xf32>
      %get3A_190 = arith.constant 8 : i32
      %get3A_191 = arith.index_cast %get3A_190 : i32 to index
      %get3A_192 = arith.index_cast %mul3A_25 : i32 to index
      %get3A_193 = tpu.vector_load %arg7[%get3A_191, %get3A_192] {strides = array<i32>} : memref<16x1024xf32, #tpu.memory_space<vmem>>, vector<1x16xf32>,
      %get3A_194 = vector.shape_cast %get3A_193 : vector<1x16xf32> to vector<16xf32>
      %add3A_195 = arith.addf %get3A_189, %get3A_194 : vector<16xf32>
      %mul3A_196 = arith.constant 5.000000e-01 : f32
      %mul3A_197 = vector.broadcast %mul3A_196 : f32 to vector<16xf32>
      %mul3A_198 = arith.mulf %add3A_195, %mul3A_197 : vector<16xf32>
      %swap3A_199 = arith.constant 8 : i32
      %swap3A_200 = arith.index_cast %swap3A_199 : i32 to index
      %swap3A_201 = arith.index_cast %mul3A_25 : i32 to index
      %swap3A_202 = tpu.vector_load %arg8[%swap3A_200, %swap3A_201] {strides = array<i32>} : memref<16x1024xf32, #tpu.memory_space<vmem>>, vector<1x16xf32>,
      %swap3A_203 = vector.shape_cast %swap3A_202 : vector<1x16xf32> to vector<16xf32>
      %swap3A_204 = vector.shape_cast %mul3A_198 : vector<16xf32> to vector<1x16xf32>
      tpu.vector_store %arg8[%swap3A_200, %swap3A_201], %swap3A_204 {strides = array<i32>} : memref<16x1024xf32, #tpu.memory_space<vmem>>, vector<1x16xf32>,
      %get3A_205 = arith.constant 9 : i32
      %get3A_206 = arith.index_cast %get3A_205 : i32 to index
      %get3A_207 = arith.index_cast %mul3A_25 : i32 to index
      %get3A_208 = tpu.vector_load %arg6[%get3A_206, %get3A_207] {strides = array<i32>} : memref<16x1024xf32, #tpu.memory_space<vmem>>, vector<1x16xf32>,
      %get3A_209 = vector.shape_cast %get3A_208 : vector<1x16xf32> to vector<16xf32>
      %get3A_210 = arith.constant 9 : i32
      %get3A_211 = arith.index_cast %get3A_210 : i32 to index
      %get3A_212 = arith.index_cast %mul3A_25 : i32 to index
      %get3A_213 = tpu.vector_load %arg7[%get3A_211, %get3A_212] {strides = array<i32>} : memref<16x1024xf32, #tpu.memory_space<vmem>>, vector<1x16xf32>,
      %get3A_214 = vector.shape_cast %get3A_213 : vector<1x16xf32> to vector<16xf32>
      %add3A_215 = arith.addf %get3A_209, %get3A_214 : vector<16xf32>
      %mul3A_216 = arith.constant 5.000000e-01 : f32
      %mul3A_217 = vector.broadcast %mul3A_216 : f32 to vector<16xf32>
      %mul3A_218 = arith.mulf %add3A_215, %mul3A_217 : vector<16xf32>
      %swap3A_219 = arith.constant 9 : i32
      %swap3A_220 = arith.index_cast %swap3A_219 : i32 to index
      %swap3A_221 = arith.index_cast %mul3A_25 : i32 to index
      %swap3A_222 = tpu.vector_load %arg8[%swap3A_220, %swap3A_221] {strides = array<i32>} : memref<16x1024xf32, #tpu.memory_space<vmem>>, vector<1x16xf32>,
      %swap3A_223 = vector.shape_cast %swap3A_222 : vector<1x16xf32> to vector<16xf32>
      %swap3A_224 = vector.shape_cast %mul3A_218 : vector<16xf32> to vector<1x16xf32>
      tpu.vector_store %arg8[%swap3A_220, %swap3A_221], %swap3A_224 {strides = array<i32>} : memref<16x1024xf32, #tpu.memory_space<vmem>>, vector<1x16xf32>,
      %get3A_225 = arith.constant 10 : i32
      %get3A_226 = arith.index_cast %get3A_225 : i32 to index
      %get3A_227 = arith.index_cast %mul3A_25 : i32 to index
      %get3A_228 = tpu.vector_load %arg6[%get3A_226, %get3A_227] {strides = array<i32>} : memref<16x1024xf32, #tpu.memory_space<vmem>>, vector<1x16xf32>,
      %get3A_229 = vector.shape_cast %get3A_228 : vector<1x16xf32> to vector<16xf32>
      %get3A_230 = arith.constant 10 : i32
      %get3A_231 = arith.index_cast %get3A_230 : i32 to index
      %get3A_232 = arith.index_cast %mul3A_25 : i32 to index
      %get3A_233 = tpu.vector_load %arg7[%get3A_231, %get3A_232] {strides = array<i32>} : memref<16x1024xf32, #tpu.memory_space<vmem>>, vector<1x16xf32>,
      %get3A_234 = vector.shape_cast %get3A_233 : vector<1x16xf32> to vector<16xf32>
      %add3A_235 = arith.addf %get3A_229, %get3A_234 : vector<16xf32>
      %mul3A_236 = arith.constant 5.000000e-01 : f32
      %mul3A_237 = vector.broadcast %mul3A_236 : f32 to vector<16xf32>
      %mul3A_238 = arith.mulf %add3A_235, %mul3A_237 : vector<16xf32>
      %swap3A_239 = arith.constant 10 : i32
      %swap3A_240 = arith.index_cast %swap3A_239 : i32 to index
      %swap3A_241 = arith.index_cast %mul3A_25 : i32 to index
      %swap3A_242 = tpu.vector_load %arg8[%swap3A_240, %swap3A_241] {strides = array<i32>} : memref<16x1024xf32, #tpu.memory_space<vmem>>, vector<1x16xf32>,
      %swap3A_243 = vector.shape_cast %swap3A_242 : vector<1x16xf32> to vector<16xf32>
      %swap3A_244 = vector.shape_cast %mul3A_238 : vector<16xf32> to vector<1x16xf32>
      tpu.vector_store %arg8[%swap3A_240, %swap3A_241], %swap3A_244 {strides = array<i32>} : memref<16x1024xf32, #tpu.memory_space<vmem>>, vector<1x16xf32>,
      %get3A_245 = arith.constant 11 : i32
      %get3A_246 = arith.index_cast %get3A_245 : i32 to index
      %get3A_247 = arith.index_cast %mul3A_25 : i32 to index
      %get3A_248 = tpu.vector_load %arg6[%get3A_246, %get3A_247] {strides = array<i32>} : memref<16x1024xf32, #tpu.memory_space<vmem>>, vector<1x16xf32>,
      %get3A_249 = vector.shape_cast %get3A_248 : vector<1x16xf32> to vector<16xf32>
      %get3A_250 = arith.constant 11 : i32
      %get3A_251 = arith.index_cast %get3A_250 : i32 to index
      %get3A_252 = arith.index_cast %mul3A_25 : i32 to index
      %get3A_253 = tpu.vector_load %arg7[%get3A_251, %get3A_252] {strides = array<i32>} : memref<16x1024xf32, #tpu.memory_space<vmem>>, vector<1x16xf32>,
      %get3A_254 = vector.shape_cast %get3A_253 : vector<1x16xf32> to vector<16xf32>
      %add3A_255 = arith.addf %get3A_249, %get3A_254 : vector<16xf32>
      %mul3A_256 = arith.constant 5.000000e-01 : f32
      %mul3A_257 = vector.broadcast %mul3A_256 : f32 to vector<16xf32>
      %mul3A_258 = arith.mulf %add3A_255, %mul3A_257 : vector<16xf32>
      %swap3A_259 = arith.constant 11 : i32
      %swap3A_260 = arith.index_cast %swap3A_259 : i32 to index
      %swap3A_261 = arith.index_cast %mul3A_25 : i32 to index
      %swap3A_262 = tpu.vector_load %arg8[%swap3A_260, %swap3A_261] {strides = array<i32>} : memref<16x1024xf32, #tpu.memory_space<vmem>>, vector<1x16xf32>,
      %swap3A_263 = vector.shape_cast %swap3A_262 : vector<1x16xf32> to vector<16xf32>
      %swap3A_264 = vector.shape_cast %mul3A_258 : vector<16xf32> to vector<1x16xf32>
      tpu.vector_store %arg8[%swap3A_260, %swap3A_261], %swap3A_264 {strides = array<i32>} : memref<16x1024xf32, #tpu.memory_space<vmem>>, vector<1x16xf32>,
      %get3A_265 = arith.constant 12 : i32
      %get3A_266 = arith.index_cast %get3A_265 : i32 to index
      %get3A_267 = arith.index_cast %mul3A_25 : i32 to index
      %get3A_268 = tpu.vector_load %arg6[%get3A_266, %get3A_267] {strides = array<i32>} : memref<16x1024xf32, #tpu.memory_space<vmem>>, vector<1x16xf32>,
      %get3A_269 = vector.shape_cast %get3A_268 : vector<1x16xf32> to vector<16xf32>
      %get3A_270 = arith.constant 12 : i32
      %get3A_271 = arith.index_cast %get3A_270 : i32 to index
      %get3A_272 = arith.index_cast %mul3A_25 : i32 to index
      %get3A_273 = tpu.vector_load %arg7[%get3A_271, %get3A_272] {strides = array<i32>} : memref<16x1024xf32, #tpu.memory_space<vmem>>, vector<1x16xf32>,
      %get3A_274 = vector.shape_cast %get3A_273 : vector<1x16xf32> to vector<16xf32>
      %add3A_275 = arith.addf %get3A_269, %get3A_274 : vector<16xf32>
      %mul3A_276 = arith.constant 5.000000e-01 : f32
      %mul3A_277 = vector.broadcast %mul3A_276 : f32 to vector<16xf32>
      %mul3A_278 = arith.mulf %add3A_275, %mul3A_277 : vector<16xf32>
      %swap3A_279 = arith.constant 12 : i32
      %swap3A_280 = arith.index_cast %swap3A_279 : i32 to index
      %swap3A_281 = arith.index_cast %mul3A_25 : i32 to index
      %swap3A_282 = tpu.vector_load %arg8[%swap3A_280, %swap3A_281] {strides = array<i32>} : memref<16x1024xf32, #tpu.memory_space<vmem>>, vector<1x16xf32>,
      %swap3A_283 = vector.shape_cast %swap3A_282 : vector<1x16xf32> to vector<16xf32>
      %swap3A_284 = vector.shape_cast %mul3A_278 : vector<16xf32> to vector<1x16xf32>
      tpu.vector_store %arg8[%swap3A_280, %swap3A_281], %swap3A_284 {strides = array<i32>} : memref<16x1024xf32, #tpu.memory_space<vmem>>, vector<1x16xf32>,
      %get3A_285 = arith.constant 13 : i32
      %get3A_286 = arith.index_cast %get3A_285 : i32 to index
      %get3A_287 = arith.index_cast %mul3A_25 : i32 to index
      %get3A_288 = tpu.vector_load %arg6[%get3A_286, %get3A_287] {strides = array<i32>} : memref<16x1024xf32, #tpu.memory_space<vmem>>, vector<1x16xf32>,
      %get3A_289 = vector.shape_cast %get3A_288 : vector<1x16xf32> to vector<16xf32>
      %get3A_290 = arith.constant 13 : i32
      %get3A_291 = arith.index_cast %get3A_290 : i32 to index
      %get3A_292 = arith.index_cast %mul3A_25 : i32 to index
      %get3A_293 = tpu.vector_load %arg7[%get3A_291, %get3A_292] {strides = array<i32>} : memref<16x1024xf32, #tpu.memory_space<vmem>>, vector<1x16xf32>,
      %get3A_294 = vector.shape_cast %get3A_293 : vector<1x16xf32> to vector<16xf32>
      %add3A_295 = arith.addf %get3A_289, %get3A_294 : vector<16xf32>
      %mul3A_296 = arith.constant 5.000000e-01 : f32
      %mul3A_297 = vector.broadcast %mul3A_296 : f32 to vector<16xf32>
      %mul3A_298 = arith.mulf %add3A_295, %mul3A_297 : vector<16xf32>
      %swap3A_299 = arith.constant 13 : i32
      %swap3A_300 = arith.index_cast %swap3A_299 : i32 to index
      %swap3A_301 = arith.index_cast %mul3A_25 : i32 to index
      %swap3A_302 = tpu.vector_load %arg8[%swap3A_300, %swap3A_301] {strides = array<i32>} : memref<16x1024xf32, #tpu.memory_space<vmem>>, vector<1x16xf32>,
      %swap3A_303 = vector.shape_cast %swap3A_302 : vector<1x16xf32> to vector<16xf32>
      %swap3A_304 = vector.shape_cast %mul3A_298 : vector<16xf32> to vector<1x16xf32>
      tpu.vector_store %arg8[%swap3A_300, %swap3A_301], %swap3A_304 {strides = array<i32>} : memref<16x1024xf32, #tpu.memory_space<vmem>>, vector<1x16xf32>,
      %get3A_305 = arith.constant 14 : i32
      %get3A_306 = arith.index_cast %get3A_305 : i32 to index
      %get3A_307 = arith.index_cast %mul3A_25 : i32 to index
      %get3A_308 = tpu.vector_load %arg6[%get3A_306, %get3A_307] {strides = array<i32>} : memref<16x1024xf32, #tpu.memory_space<vmem>>, vector<1x16xf32>,
      %get3A_309 = vector.shape_cast %get3A_308 : vector<1x16xf32> to vector<16xf32>
      %get3A_310 = arith.constant 14 : i32
      %get3A_311 = arith.index_cast %get3A_310 : i32 to index
      %get3A_312 = arith.index_cast %mul3A_25 : i32 to index
      %get3A_313 = tpu.vector_load %arg7[%get3A_311, %get3A_312] {strides = array<i32>} : memref<16x1024xf32, #tpu.memory_space<vmem>>, vector<1x16xf32>,
      %get3A_314 = vector.shape_cast %get3A_313 : vector<1x16xf32> to vector<16xf32>
      %add3A_315 = arith.addf %get3A_309, %get3A_314 : vector<16xf32>
      %mul3A_316 = arith.constant 5.000000e-01 : f32
      %mul3A_317 = vector.broadcast %mul3A_316 : f32 to vector<16xf32>
      %mul3A_318 = arith.mulf %add3A_315, %mul3A_317 : vector<16xf32>
      %swap3A_319 = arith.constant 14 : i32
      %swap3A_320 = arith.index_cast %swap3A_319 : i32 to index
      %swap3A_321 = arith.index_cast %mul3A_25 : i32 to index
      %swap3A_322 = tpu.vector_load %arg8[%swap3A_320, %swap3A_321] {strides = array<i32>} : memref<16x1024xf32, #tpu.memory_space<vmem>>, vector<1x16xf32>,
      %swap3A_323 = vector.shape_cast %swap3A_322 : vector<1x16xf32> to vector<16xf32>
      %swap3A_324 = vector.shape_cast %mul3A_318 : vector<16xf32> to vector<1x16xf32>
      tpu.vector_store %arg8[%swap3A_320, %swap3A_321], %swap3A_324 {strides = array<i32>} : memref<16x1024xf32, #tpu.memory_space<vmem>>, vector<1x16xf32>,
      %get3A_325 = arith.constant 15 : i32
      %get3A_326 = arith.index_cast %get3A_325 : i32 to index
      %get3A_327 = arith.index_cast %mul3A_25 : i32 to index
      %get3A_328 = tpu.vector_load %arg6[%get3A_326, %get3A_327] {strides = array<i32>} : memref<16x1024xf32, #tpu.memory_space<vmem>>, vector<1x16xf32>,
      %get3A_329 = vector.shape_cast %get3A_328 : vector<1x16xf32> to vector<16xf32>
      %get3A_330 = arith.constant 15 : i32
      %get3A_331 = arith.index_cast %get3A_330 : i32 to index
      %get3A_332 = arith.index_cast %mul3A_25 : i32 to index
      %get3A_333 = tpu.vector_load %arg7[%get3A_331, %get3A_332] {strides = array<i32>} : memref<16x1024xf32, #tpu.memory_space<vmem>>, vector<1x16xf32>,
      %get3A_334 = vector.shape_cast %get3A_333 : vector<1x16xf32> to vector<16xf32>
      %add3A_335 = arith.addf %get3A_329, %get3A_334 : vector<16xf32>
      %mul3A_336 = arith.constant 5.000000e-01 : f32
      %mul3A_337 = vector.broadcast %mul3A_336 : f32 to vector<16xf32>
      %mul3A_338 = arith.mulf %add3A_335, %mul3A_337 : vector<16xf32>
      %swap3A_339 = arith.constant 15 : i32
      %swap3A_340 = arith.index_cast %swap3A_339 : i32 to index
      %swap3A_341 = arith.index_cast %mul3A_25 : i32 to index
      %swap3A_342 = tpu.vector_load %arg8[%swap3A_340, %swap3A_341] {strides = array<i32>} : memref<16x1024xf32, #tpu.memory_space<vmem>>, vector<1x16xf32>,
      %swap3A_343 = vector.shape_cast %swap3A_342 : vector<1x16xf32> to vector<16xf32>
      %swap3A_344 = vector.shape_cast %mul3A_338 : vector<16xf32> to vector<1x16xf32>
      tpu.vector_store %arg8[%swap3A_340, %swap3A_341], %swap3A_344 {strides = array<i32>} : memref<16x1024xf32, #tpu.memory_space<vmem>>, vector<1x16xf32>,
    }
    %scan3A_22 = arith.constant 64 : i32
    "tpu.region"() ({
      %run_scoped3A = tpu.sem_alloc : memref<!tpu.dma_semaphore, #tpu.memory_space<semaphore_mem>>
      %dma_start3A_23 = arith.constant 0 : i32
      %dma_start3A_24 = tpu.memref_slice %arg4[%mul3A_2, %dma_start3A_23] : memref<512x1024xf32, #tpu.memory_space<hbm>> -> memref<16x1024xf32, #tpu.memory_space<hbm>>
      %dma_start3A_25 = arith.constant 0 : i32
      %dma_start3A_26 = tpu.memref_slice %arg4[%mul3A_2, %dma_start3A_25] : memref<512x1024xf32, #tpu.memory_space<hbm>> -> memref<16x1024xf32, #tpu.memory_space<hbm>>
      tpu.enqueue_dma source(%arg8 : memref<16x1024xf32, #tpu.memory_space<vmem>>) target(%dma_start3A_26 : memref<16x1024xf32, #tpu.memory_space<hbm>>) target_semaphore(%run_scoped3A : memref<!tpu.dma_semaphore, #tpu.memory_space<semaphore_mem>>)
      %dma_wait3A_27 = arith.constant 0 : i32
      %dma_wait3A_28 = tpu.memref_slice %arg4[%mul3A_2, %dma_wait3A_27] : memref<512x1024xf32, #tpu.memory_space<hbm>> -> memref<16x1024xf32, #tpu.memory_space<hbm>>
      %dma_wait3A_29 = arith.constant 0 : i32
      %dma_wait3A_30 = tpu.memref_slice %arg4[%mul3A_2, %dma_wait3A_29] : memref<512x1024xf32, #tpu.memory_space<hbm>> -> memref<16x1024xf32, #tpu.memory_space<hbm>>
      tpu.wait_dma2 semaphore(%run_scoped3A : memref<!tpu.dma_semaphore, #tpu.memory_space<semaphore_mem>>) src(%arg8 : memref<16x1024xf32, #tpu.memory_space<vmem>>) dst(%dma_wait3A_30 : memref<16x1024xf32, #tpu.memory_space<hbm>>)
      tpu.yield
    }) : () -> ()
    return
  }
}

</mosaic_0001>

<sc_bundles>
// kernel: kernel.3.cloned.1.call-start
scs
__scs_entry_jumppad:
0x0: {  	(pc) =	sbr.rel $0x88, $3  }
0x1: {  	(tag) =	ssettag $0x0;
	lr =	simm.s32 $0x1  }
0x2: {  	[smem:$0x3FA0] =	sst lr;
	_ =	strace $0xD0000000  }
0x3: {  	_ = 	snop  }
0x4: {  	_ = 	snop  }
0x5: {  	_ = 	snop  }
0x6: {  	_ = 	snop  }
0x7: {  	_ = 	snop  }
__scs_overlays_trampoline_lowered:
0x8: {  	[smem:$0x3FAF] =	sst s0  }
0x9: {  	[smem:$0x3FB0] =	sst s1  }
0xa: {  	[smem:$0x3FB1] =	sst s2  }
0xb: {  	[smem:$0x3FB2] =	sst s3  }
0xc: {  	[smem:$0x3FB3] =	sst s4  }
0xd: {  	[smem:$0x3FB4] =	sst s5  }
0xe: {  	[smem:$0x3FB5] =	sst s6  }
0xf: {  	[smem:$0x3FB6] =	sst s7  }
0x10: {  	[smem:$0x3FB7] =	sst s8  }
0x11: {  	[smem:$0x3FB8] =	sst s9;
	s0 =	simm.s32 @!p0 $0x0  }
0x12: {  	s1 =	sld [smem:$0x3F9E];
	s0 =	simm.s32 @p0 $0x1  }
0x13: {  	[smem:$0x3FB9] =	sst s0;
	s0 =	simm.s32 @!p1 $0x0  }
0x14: {  	s2 =	sld [smem:$0x3F9D];
	s0 =	simm.s32 @p1 $0x1  }
0x15: {  	[smem:$0x3FBA] =	sst s0;
	s0 =	simm.s32 @!p2 $0x0  }
0x16: {  	s3 =	sld [smem:$0x3FDB];
	s0 =	simm.s32 @p2 $0x1  }
0x17: {  	s4 =	simm.s32 $0x1BF5;
	[smem:$0x3FBC] =	sst s0  }
0x18: {  	s0 =	sld [smem:$0x3F9F];
	_ =	swait.ge [sflag:s4], $0x0  }
0x19: {  	s7 =	sld [smem:$0x3FA0]  }
0x1a: {  	s8 =	sadd.s32 $0xFFFFE003, lr  }
0x1b: {  	s9 =	sadd.s32 $0xFFFFFEF7, lr;
	s5 =	simm.s32 $0xFFFFFFFF;
	p2 =	slt.u32 s8, $0xFFFFF086  }
0x1c: {  	p1 =	slt.u32 s9, $0xF7A;
	s5 =	simm.s32 @!p2 $0x0  }
0x1d: {  	s5 =	simm.s32 @p1 $0x1;
	p0 =	seq.s32 s7, s2  }
0x1e: {  	s7 =	smul.u32 @!p0 $0xF7A, s2;
	p2 =	seq.s32 @!p0 s5, $0x0  }
0x1f: {  	s9 =	smul.u32 $0xF7A, s1;
	s8 =	simm.s32 @!p0 $0x1BF5;
	p2 =	por !p2, p0  }
0x20: {  	[sflag:s8] =	ssyncset.s32 @!p0 $0xFFFFF086;
	s6 =	sadd.s32 @!p0 s3, s7;
	s7 =	simm.s32 @!p0 $0x108  }
0x21: {  	s3 =	sadd.s32 s3, s9;
	s6 =	sadd.s32 @!p0 $0x88, s6;
	s7 =	simm.s32 @p2 $0x1082  }
0x22: {  	[simem:s7], [sflag:s8] =	dma.local @!p0 [hbm:s6], $0xF7A  }
0x23: {  	s9 =	sor.u32 $0xD0000000, s2;
	s6 =	simm.s32 $0x108;
	_ =	swait.ge @!p0 [sflag:s8], $0x0  }
0x24: {  	s3 =	sadd.s32 $0x88, s3;
	s6 =	simm.s32 @!p1 $0x1082;
	[sflag:s4] =	ssyncset.s32 $0xFFFFF086  }
0x25: {  	[simem:s6], [sflag:s4] =	dma.local [hbm:s3], $0xF7A  }
0x26: {  	[smem:$0x3FA0] =	sst s1;
	(tag) =	ssettag s2;
	_ =	strace s9  }
0x27: {  	s1 =	sld [smem:$0x3FB0]  }
0x28: {  	s2 =	sld [smem:$0x3FB1]  }
0x29: {  	s4 =	sld [smem:$0x3FB3]  }
0x2a: {  	p0 =	seq.s32 s5, $0x0;
	s5 =	sld [smem:$0x3FB4]  }
0x2b: {  	s6 =	sld [smem:$0x3FB5]  }
0x2c: {  	s7 =	sld [smem:$0x3FB6]  }
0x2d: {  	s3 =	simm.s32 $0x108;
	s8 =	sld [smem:$0x3FB7]  }
0x2e: {  	s3 =	simm.s32 @!p0 $0x1082;
	s9 =	sld [smem:$0x3FB8]  }
0x2f: {  	lr =	sadd.s32 s0, s3;
	s0 =	sld [smem:$0x3FAF]  }
0x30: {  	s3 =	sld [smem:$0x3FB2]  }
0x31: {  	[smem:$0x3FBB] =	sst s10  }
0x32: {  	s10 =	sld [smem:$0x3FB9];
	_ =	sdelay $0x3  }
0x33: {  	p0 =	seq.s32 s10, $0x1;
	s10 =	sld [smem:$0x3FBB];
	_ =	sdelay $0x3  }
0x34: {  	[smem:$0x3FBB] =	sst s10  }
0x35: {  	s10 =	sld [smem:$0x3FBA];
	_ =	sdelay $0x3  }
0x36: {  	p1 =	seq.s32 s10, $0x1;
	s10 =	sld [smem:$0x3FBB];
	_ =	sdelay $0x3  }
0x37: {  	[smem:$0x3FBB] =	sst s10  }
0x38: {  	s10 =	sld [smem:$0x3FBC]  }
0x39: {  	_ = 	snop;
	(pc) =	sbr.ind lr, $3  }
0x3a: {  	_ = 	snop  }
0x3b: {  	_ = 	snop  }
0x3c: {  	p2 =	seq.s32 s10, $0x1;
	s10 =	sld [smem:$0x3FBB]  }
0x3d: {  	_ =	shalt  }
0x3e: {  	_ =	shalt  }
0x3f: {  	_ =	shalt  }
0x40: {  	_ =	shalt  }
0x41: {  	_ =	shalt  }
0x42: {  	_ =	shalt  }
0x43: {  	_ =	shalt  }
0x44: {  	_ =	shalt  }
0x45: {  	_ =	shalt  }
0x46: {  	_ =	shalt  }
0x47: {  	_ =	shalt  }
0x48: {  	_ =	shalt  }
0x49: {  	_ =	shalt  }
0x4a: {  	_ =	shalt  }
0x4b: {  	_ =	shalt  }
0x4c: {  	_ =	shalt  }
0x4d: {  	_ =	shalt  }
0x4e: {  	_ =	shalt  }
0x4f: {  	_ =	shalt  }
0x50: {  	_ =	shalt  }
0x51: {  	_ =	shalt  }
0x52: {  	_ =	shalt  }
0x53: {  	_ =	shalt  }
0x54: {  	_ =	shalt  }
0x55: {  	_ =	shalt  }
0x56: {  	_ =	shalt  }
0x57: {  	_ =	shalt  }
0x58: {  	_ =	shalt  }
0x59: {  	_ =	shalt  }
0x5a: {  	_ =	shalt  }
0x5b: {  	_ =	shalt  }
0x5c: {  	_ =	shalt  }
0x5d: {  	_ =	shalt  }
0x5e: {  	_ =	shalt  }
0x5f: {  	_ =	shalt  }
0x60: {  	_ =	shalt  }
0x61: {  	_ =	shalt  }
0x62: {  	_ =	shalt  }
0x63: {  	_ =	shalt  }
0x64: {  	_ =	shalt  }
0x65: {  	_ =	shalt  }
0x66: {  	_ =	shalt  }
0x67: {  	_ =	shalt  }
0x68: {  	_ =	shalt  }
0x69: {  	_ =	shalt  }
0x6a: {  	_ =	shalt  }
0x6b: {  	_ =	shalt  }
0x6c: {  	_ =	shalt  }
0x6d: {  	_ =	shalt  }
0x6e: {  	_ =	shalt  }
0x6f: {  	_ =	shalt  }
0x70: {  	_ =	shalt  }
0x71: {  	_ =	shalt  }
0x72: {  	_ =	shalt  }
0x73: {  	_ =	shalt  }
0x74: {  	_ =	shalt  }
0x75: {  	_ =	shalt  }
0x76: {  	_ =	shalt  }
0x77: {  	_ =	shalt  }
0x78: {  	_ =	shalt  }
0x79: {  	_ =	shalt  }
0x7a: {  	_ =	shalt  }
0x7b: {  	_ =	shalt  }
0x7c: {  	_ =	shalt  }
0x7d: {  	_ =	shalt  }
0x7e: {  	_ =	shalt  }
0x7f: {  	_ =	shalt  }
0x80: {  	_ =	shalt  }
0x81: {  	_ =	shalt  }
0x82: {  	_ =	shalt  }
0x83: {  	_ =	shalt  }
0x84: {  	_ =	shalt  }
0x85: {  	_ =	shalt  }
0x86: {  	_ =	shalt  }
0x87: {  	_ =	shalt  }
.Lfunc_end0:
.L_simem_size_0:
called_computation_lowered:
.L_overlay_start_0:
0x88: {  	s2 =	sld [smem:$0x3FD9]  }
0x89: {  	s3 =	sld [smem:$0x3FFE];
	_ =	sdelay $0x1  }
0x8a: {  	s1 =	srdreg.scid  }
0x8b: {  	s0 =	sand.u32 $0x1, s1  }
0x8c: {  	s17 =	sshll.u32 s0, $0xA;
	s2 =	sadd.s32 s3, s2  }
0x8d: {  	s2 =	sadd.s32 s2, s17  }
0x8e: {  	[smem:$0x3FC7] =	sst s2  }
0x8f: {  	_ = 	snop  }
0x90: {  	s2 =	sld [smem:$0x3FC9]  }
0x91: {  	s18 =	sld [smem:$0x3FD0];
	(tm) =	ssettm $0x1  }
0x92: {  	s4 =	sld [smem:$0x3FFB];
	_ =	sdelay $0x3  }
0x93: {  	_ =	strace s4  }
0x94: {  	s4 =	sld [smem:$0x3FFC];
	_ =	sdelay $0x3  }
0x95: {  	_ =	strace s4  }
0x96: {  	s4 =	sld [smem:$0x3FFD];
	_ =	sdelay $0x3  }
0x97: {  	_ =	strace s4  }
0x98: {  	_ =	strace $0x8FFFFFFF  }
0x99: {  	s19 =	sld [smem:$0x3FDB];
	_ =	sdelay $0x1  }
0x9a: {  	s5 =	simm.s32 $_scs_section_size  }
0x9b: {  	s6 =	simm.s32 $_size__tile_overlayer_lowered;
	s7 =	simm.s32 $_tile_overlayer_lowered  }
0x9c: {  	s22 =	simm.s32 $0x1BFF;
	s21 =	sshll.u32 s7, $0x1;
	s4 =	sadd.s32 s5, s19  }
0x9d: {  	s8 =	simm.s32 $0x0;
	s20 =	sshll.u32 s6, $0x1;
	s6 =	sadd.s32 s21, s4  }
0x9e: {  	[timem:s8], [sflag:s22] =	dma.local [hbm:s6], s20  }
0x9f: {  	_ =	swait.ge [sflag:s22], s20  }
0xa0: {  	s5 =	ssub.s32 $0x0, s20;
	[sflag:s22] =	ssyncset.done $0x0  }
0xa1: {  	[sflag:s22] =	ssyncadd.s32 s5;
	_ =	sdelay $0x1  }
0xa2: {  	s23 =	simm.s32 $0x1B8B  }
0xa3: {  	_ =	swait.ge [sflag:s23], $0x1  }
0xa4: {  	[sflag:s23] =	ssyncset.done $0x0  }
0xa5: {  	s25 =	simm.s32 $0x1B8E;
	s24 =	sld [smem:$0x3FFE];
	[sflag:s23] =	ssyncadd.s32 $0xFFFFFFFF  }
0xa6: {  	s26 =	simm.s32 $execute0_lowered;
	[smem:$0x3FD2] =	sst s25  }
0xa7: {  	s6 =	sshll.u32 s26, $0x1;
	_ =	strace $0x80000046;
	[dreg:$0x1] =	wrdreg $0xFFFFFFFF  }
0xa8: {  	s28 =	simm.s32 $_size_execute0_lowered;
	s4 =	sadd.s32 s4, s6;
	[dreg:$0x0] =	wrdreg $0x0  }
0xa9: {  	s6 =	sshll.u32 s28, $0x1;
	[dreg:$0x2] =	wrdreg s4  }
0xaa: {  	[dreg:$0x3] =	wrdreg s6  }
0xab: {  	[dreg:$0x4] =	wrdreg $0xC0  }
0xac: {  	_ =	task [dreg:s8], $0x5FFFF  }
0xad: {  	[dreg:$0x1] =	wrdreg $0xFFFFFFFF  }
0xae: {  	[dreg:$0x0] =	wrdreg $0x60  }
0xaf: {  	[dreg:$0x2] =	wrdreg s2  }
0xb0: {  	[dreg:$0x3] =	wrdreg s24  }
0xb1: {  	[dreg:$0x4] =	wrdreg s18  }
0xb2: {  	[dreg:$0x5] =	wrdreg $0x9  }
0xb3: {  	_ =	task.clear_ibuf [dreg:s8], $0x6FFFF;
	_ =	strace $0x90000046  }
0xb4: {  	s29 =	simm.s32 $0x9;
	_ =	strace $0x80000048  }
0xb5: {  	_ =	swait.ge [sflag:s29], $0x1  }
0xb6: {  	[sflag:s29] =	ssyncadd.s32 $0xFFFFFFFF  }
0xb7: {  	_ =	strace $0x90000048  }
0xb8: {  	_ =	sfence  }
0xb9: {  	s30 =	sld [smem:$0x0];
	_ =	sdelay $0x2  }
0xba: {  	s31 =	sshll.u32 s1, $0xD;
	s1 =	sshrl.u32 s1, $0x2  }
0xbb: {  	s3 =	sand.u32 $0x4000, s31;
	s1 =	sadd.s32 s1, s30  }
0xbc: {  	s0 =	sor.u32 s3, s0;
	s1 =	sshll.u32 s1, $0x11  }
0xbd: {  	s0 =	sor.u32 s1, s0  }
0xbe: {  	s0 =	sadd.s32 $0x8F2B, s0  }
0xbf: {  	[sflag:s0] =	ssyncadd.remote.s32 $0x1  }
0xc0: {  	_ =	sfence.sel $0xFFFF  }
0xc1: {  	[dreg:$0x0] =	wrdreg $0xFFFFFFFF;
	(pc) =	sbr.abs _section_cstart, $3  }
0xc2: {  	[dreg:$0x1] =	wrdreg $0xFFFFFFFF  }
0xc3: {  	_ =	task.clear_ibuf [dreg:s8], $0x2FFFF;
	_ =	strace $0x9FFFFFFF  }
0xc4: {  	(tm) =	ssettm $0x7FFFFFFF  }
0xc5: {  	_ =	shalt  }
tec
execute0_lowered:
.L_overlay_start_1:
0x0: {  	(tag) =	ssettag $0x1  }
0x1: {  	s1 =	rddreg [dreg:$0x0]  }
0x2: {  	s0 =	rddreg [dreg:$0x1]  }
0x3: {  	s2 =	rddreg [dreg:$0x2];
	s4 =	srdreg.scid  }
0x4: {  	s3 =	simm.s32 $0x0;
	s6 =	stileid.u32;
	s10 =	simm.s32 $0x2  }
0x5: {  	s14 =	simm.s32 $0x1880;
	s15 =	simm.s32 $0x2080;
	s16 =	simm.s32 $0x2880  }
0x6: {  	s17 =	simm.s32 $0x3080;
	s18 =	simm.s32 $0x3880;
	s19 =	simm.s32 $0x4080  }
0x7: {  	s20 =	simm.s32 $0x4880;
	s21 =	simm.s32 $0x5080;
	s22 =	simm.s32 $0x5880  }
0x8: {  	s23 =	simm.s32 $0x6080;
	s24 =	simm.s32 $0x6880;
	s25 =	simm.s32 $0x7080  }
0x9: {  	s26 =	simm.s32 $0x7880;
	s28 =	simm.s32 $0x1;
	s29 =	simm.s32 $0x8080  }
0xa: {  	s30 =	simm.s32 $0x0;
	s4 =	sand.u32 $0x1, s4;
	s6 =	sshll.u32 s6, $0x5  }
0xb: {  	[smem:$0x7FF] =	sst s3;
	s5 =	ssub.s32 $0x2, s4;
	s4 =	sshll.u32 s4, $0x4  }
0xc: {  	_ =	strace $0x80000047;
	s7 =	sshrl.u32 s5, $0x1;
	s6 =	sor.u32 s4, s6  }
0xd: {  	v2 =	vlaneseq.u32;
	s9 =	ssub.s32 s5, s7;
	s4 =	sshrl.u32 s6, $0x3;
	s5 =	sadd.s32 $0x100, s1  }
0xe: {  	vm0 =	vmmov $0xffff;
	v1 =	vshrl.u32 v2, $0x3;
	s31 =	sshll.u32 s6, $0x7;
	s6 =	sadd.s32 $0x200, s1;
	s7 =	sadd.s32 $0x300, s1  }
0xf: {  	v0 =	vand.u32 $0x7, v2;
	v2 =	vor.u32 $0x8, v2;
	v1 =	vmul.u32 $0x8, v1;
	s4 =	sadd.s32 s0, s4;
	s8 =	sadd.s32 s2, s31;
	s9 =	smax.u32 s9, $0x1  }
.LBB2_1:
0x10: {  	[tilespmem:s3], [sflag:$0x2] =	stream.linear.gather [hbm4b:s4+s3], $0x10, $0x38;
	[tilespmem:$0xC080] =	vst v63  }
0x11: {  	_ =	swait.ge [sflag:s10], $0x10  }
0x12: {  	[sflag:s10] =	ssyncset.done $0x0  }
0x13: {  	[sflag:s10] =	ssyncadd.s32 $0xFFFFFFF0  }
0x14: {  	v3 =	vld [tilespmem:$0x0];
	_ =	sdelay $0x4  }
0x15: {  	v4 =	vshll.u32 v3, $0x3  }
0x16: {  	v3 =	vand.u32 $0x7, v3;
	v4 =	vand.u32 $0xFFFFFFC0, v4  }
0x17: {  	v3 =	vor.u32 v3, v4  }
0x18: {  	v4 =	vperm.xlane v3, v0;
	_ =	sdelay $0x1  }
0x19: {  	v4 =	vadd.s32 v1, v4;
	_ =	sdelay $0x3  }
0x1a: {  	s0 =	simm.s32 $0x80  }
0x1b: {  	[tilespmem:s0], [sflag:$0x1] =	stream.indirect_vreg.gather [hbm4b:s1+s3], $0x80, v4, vm0, $0xb8;
	[tilespmem:$0xC080] =	vst v63  }
0x1c: {  	s2 =	simm.s32 $0x880;
	v5 =	vperm.xlane v3, v2  }
0x1d: {  	[tilespmem:s2], [sflag:$0x1] =	stream.indirect_vreg.gather [hbm4b:s5+s3], $0x80, v4, vm0, $0xb8;
	[tilespmem:$0xC080] =	vst v63  }
0x1e: {  	s11 =	simm.s32 $0x1080;
	v5 =	vadd.s32 v1, v5  }
0x1f: {  	[tilespmem:s11], [sflag:$0x1] =	stream.indirect_vreg.gather [hbm4b:s6+s3], $0x80, v4, vm0, $0xb8;
	[tilespmem:$0xC080] =	vst v63  }
0x20: {  	_ = 	snop  }
0x21: {  	[tilespmem:s14], [sflag:$0x1] =	stream.indirect_vreg.gather [hbm4b:s7+s3], $0x80, v4, vm0, $0xb8;
	[tilespmem:$0xC080] =	vst v63  }
0x22: {  	_ = 	snop  }
0x23: {  	v3 =	vadd.s32 $0x8000, v3;
	[tilespmem:s15], [sflag:$0x1] =	stream.indirect_vreg.gather [hbm4b:s1+s3], $0x80, v5, vm0, $0xb8;
	[tilespmem:$0xC080] =	vst v63  }
0x24: {  	v4 =	vperm.xlane v3, v0  }
0x25: {  	[tilespmem:s16], [sflag:$0x1] =	stream.indirect_vreg.gather [hbm4b:s5+s3], $0x80, v5, vm0, $0xb8;
	[tilespmem:$0xC080] =	vst v63  }
0x26: {  	v4 =	vadd.s32 v1, v4  }
0x27: {  	[tilespmem:s17], [sflag:$0x1] =	stream.indirect_vreg.gather [hbm4b:s6+s3], $0x80, v5, vm0, $0xb8;
	[tilespmem:$0xC080] =	vst v63  }
0x28: {  	_ = 	snop  }
0x29: {  	[tilespmem:s18], [sflag:$0x1] =	stream.indirect_vreg.gather [hbm4b:s7+s3], $0x80, v5, vm0, $0xb8;
	[tilespmem:$0xC080] =	vst v63  }
0x2a: {  	_ = 	snop  }
0x2b: {  	[tilespmem:s19], [sflag:$0x1] =	stream.indirect_vreg.gather [hbm4b:s1+s3], $0x80, v4, vm0, $0xb8;
	[tilespmem:$0xC080] =	vst v63  }
0x2c: {  	v3 =	vperm.xlane v3, v2  }
0x2d: {  	[tilespmem:s20], [sflag:$0x1] =	stream.indirect_vreg.gather [hbm4b:s5+s3], $0x80, v4, vm0, $0xb8;
	[tilespmem:$0xC080] =	vst v63  }
0x2e: {  	v3 =	vadd.s32 v1, v3  }
0x2f: {  	[tilespmem:s21], [sflag:$0x1] =	stream.indirect_vreg.gather [hbm4b:s6+s3], $0x80, v4, vm0, $0xb8;
	[tilespmem:$0xC080] =	vst v63  }
0x30: {  	_ = 	snop  }
0x31: {  	[tilespmem:s22], [sflag:$0x1] =	stream.indirect_vreg.gather [hbm4b:s7+s3], $0x80, v4, vm0, $0xb8;
	[tilespmem:$0xC080] =	vst v63  }
0x32: {  	_ = 	snop  }
0x33: {  	[tilespmem:s23], [sflag:$0x1] =	stream.indirect_vreg.gather [hbm4b:s1+s3], $0x80, v3, vm0, $0xb8;
	[tilespmem:$0xC080] =	vst v63  }
0x34: {  	_ = 	snop  }
0x35: {  	[tilespmem:s24], [sflag:$0x1] =	stream.indirect_vreg.gather [hbm4b:s5+s3], $0x80, v3, vm0, $0xb8;
	[tilespmem:$0xC080] =	vst v63  }
0x36: {  	_ = 	snop  }
0x37: {  	[tilespmem:s25], [sflag:$0x1] =	stream.indirect_vreg.gather [hbm4b:s6+s3], $0x80, v3, vm0, $0xb8;
	[tilespmem:$0xC080] =	vst v63  }
0x38: {  	_ = 	snop  }
0x39: {  	[tilespmem:s26], [sflag:$0x1] =	stream.indirect_vreg.gather [hbm4b:s7+s3], $0x80, v3, vm0, $0xb8;
	[tilespmem:$0xC080] =	vst v63  }
0x3a: {  	_ =	swait.ge [sflag:s28], $0x4000  }
0x3b: {  	[sflag:s28] =	ssyncset.done $0x0  }
0x3c: {  	[sflag:s28] =	ssyncadd.s32 $0xFFFFC000  }
0x3d: {  	_ =	swait.ge [sflag:s28], $0x4000  }
0x3e: {  	s12 =	sand.u32 $0x70, s3;
	s2 =	sand.u32 $0x1C00, s3;
	[sflag:s28] =	ssyncset.done $0x0  }
0x3f: {  	s31 =	sor.u32 s12, s2;
	[sflag:s28] =	ssyncadd.s32 $0xFFFFC000  }
0x40: {  	v3 =	vld [tilespmem:s31+$0x4280]  }
0x41: {  	v4 =	vld [tilespmem:s31+$0x4380]  }
0x42: {  	v5 =	vld [tilespmem:s31+$0x4300]  }
0x43: {  	v6 =	vld [tilespmem:s31+$0x4200]  }
0x44: {  	v7 =	vld [tilespmem:s31+$0x380]  }
0x45: {  	v8 =	vld [tilespmem:s31+$0x300]  }
0x46: {  	v9 =	vld [tilespmem:s31+$0x180]  }
0x47: {  	v10 =	vld [tilespmem:s31+$0x200]  }
0x48: {  	v11 =	vld [tilespmem:s31+$0x4180]  }
0x49: {  	v12 =	vld [tilespmem:s31+$0x4080]  }
0x4a: {  	v13 =	vld [tilespmem:s31+$0x4100]  }
0x4b: {  	v14 =	vld [tilespmem:s31+$0x100]  }
0x4c: {  	v4 =	vadd.f32 v4, v7;
	v7 =	vld [tilespmem:s31+$0x80]  }
0x4d: {  	v5 =	vadd.f32 v5, v8;
	v8 =	vld [tilespmem:s31+$0x280]  }
0x4e: {  	v6 =	vadd.f32 v6, v10;
	v4 =	vmul.f32 $5.000000000e-01, v4  }
0x4f: {  	v9 =	vadd.f32 v11, v9;
	v5 =	vmul.f32 $5.000000000e-01, v5  }
0x50: {  	v63 =	vadd.f32 v13, v14;
	v6 =	vmul.f32 $5.000000000e-01, v6;
	[tilespmem:s31+$0x8380] =	vst v4  }
0x51: {  	v4 =	vmul.f32 $5.000000000e-01, v9;
	[tilespmem:s31+$0x8300] =	vst v5;
	v7 =	vadd.f32 v12, v7  }
0x52: {  	v5 =	vmul.f32 $5.000000000e-01, v63;
	[tilespmem:s31+$0x8200] =	vst v6;
	v3 =	vadd.f32 v3, v8  }
0x53: {  	[tilespmem:s31+$0x8180] =	vst v4;
	v6 =	vmul.f32 $5.000000000e-01, v7  }
0x54: {  	[tilespmem:s31+$0x8100] =	vst v5;
	v3 =	vmul.f32 $5.000000000e-01, v3  }
0x55: {  	s11 =	sor.u32 s3, s3;
	[tilespmem:s31+$0x8080] =	vst v6  }
0x56: {  	s13 =	sor.u32 $0x380, s11;
	[tilespmem:s31+$0x8280] =	vst v3  }
0x57: {  	v3 =	vld [tilespmem:s13+$0x80]  }
0x58: {  	v4 =	vld [tilespmem:s13+$0x4080];
	_ =	sdelay $0x4  }
0x59: {  	v3 =	vadd.f32 v4, v3;
	_ =	sdelay $0x1  }
0x5a: {  	v3 =	vmul.f32 $5.000000000e-01, v3;
	_ =	sdelay $0x1  }
0x5b: {  	[tilespmem:s13+$0x8080] =	vst v3  }
0x5c: {  	v3 =	vld [tilespmem:s31+$0x2080]  }
0x5d: {  	v4 =	vld [tilespmem:s31+$0x6380]  }
0x5e: {  	v5 =	vld [tilespmem:s31+$0x2380]  }
0x5f: {  	v6 =	vld [tilespmem:s31+$0x6280]  }
0x60: {  	s0 =	simm.s32 $0x10;
	s2 =	simm.s32 $0x0;
	v7 =	vld [tilespmem:s31+$0x2280]  }
.LBB2_2:
0x61: {  	p0 =	sne.s32 s0, $0x3F0  }
0x62: {  	v8 =	vld [tilespmem:s31+$0x6180];
	s2 =	sadd.s32 $0x80, s2;
	s12 =	smov.u32 s0;
	s0 =	sadd.s32 $0x10, s0  }
0x63: {  	v9 =	vld [tilespmem:s31+$0x2180]  }
0x64: {  	v10 =	vld [tilespmem:s31+$0x2200]  }
0x65: {  	v11 =	vld [tilespmem:s31+$0x6200]  }
0x66: {  	v6 =	vadd.f32 v6, v7;
	v7 =	vld [tilespmem:s31+$0x2300]  }
0x67: {  	v12 =	vld [tilespmem:s31+$0x6300]  }
0x68: {  	v13 =	vld [tilespmem:s31+$0x6080];
	v8 =	vadd.f32 v8, v9;
	v6 =	vmul.f32 $5.000000000e-01, v6  }
0x69: {  	v9 =	vld [tilespmem:s31+$0x2100]  }
0x6a: {  	v14 =	vld [tilespmem:s31+$0x6100];
	v8 =	vmul.f32 $5.000000000e-01, v8;
	v10 =	vadd.f32 v11, v10;
	[tilespmem:s31+$0xA280] =	vst v6;
	_ =	sdelay $0x1  }
0x6b: {  	[tilespmem:s31+$0xA180] =	vst v8;
	v6 =	vmul.f32 $5.000000000e-01, v10;
	v7 =	vadd.f32 v12, v7  }
0x6c: {  	v4 =	vadd.f32 v4, v5;
	v3 =	vadd.f32 v13, v3  }
0x6d: {  	[tilespmem:s31+$0xA200] =	vst v6;
	v5 =	vmul.f32 $5.000000000e-01, v7  }
0x6e: {  	v4 =	vmul.f32 $5.000000000e-01, v4;
	v3 =	vmul.f32 $5.000000000e-01, v3;
	v6 =	vadd.f32 v14, v9  }
0x6f: {  	[tilespmem:s31+$0xA300] =	vst v5  }
0x70: {  	v5 =	vmul.f32 $5.000000000e-01, v6;
	[tilespmem:s31+$0xA380] =	vst v4  }
0x71: {  	[tilespmem:s31+$0xA080] =	vst v3  }
0x72: {  	s11 =	sor.u32 $0x2380, s11;
	[tilespmem:s31+$0xA100] =	vst v5  }
0x73: {  	v3 =	vld [tilespmem:s11+$0x80]  }
0x74: {  	v4 =	vld [tilespmem:s11+$0x4080];
	_ =	sdelay $0x4  }
0x75: {  	v3 =	vadd.f32 v4, v3;
	_ =	sdelay $0x1  }
0x76: {  	v3 =	vmul.f32 $5.000000000e-01, v3  }
0x77: {  	s13 =	sand.u32 $0x1C00, s2;
	s31 =	sand.u32 $0x70, s12  }
0x78: {  	s31 =	sor.u32 s31, s13;
	[tilespmem:s11+$0x8080] =	vst v3  }
0x79: {  	v3 =	vld [tilespmem:s31+$0x4280]  }
0x7a: {  	v4 =	vld [tilespmem:s31+$0x4380]  }
0x7b: {  	v5 =	vld [tilespmem:s31+$0x4300]  }
0x7c: {  	v6 =	vld [tilespmem:s31+$0x4200]  }
0x7d: {  	v7 =	vld [tilespmem:s31+$0x380]  }
0x7e: {  	v8 =	vld [tilespmem:s31+$0x300]  }
0x7f: {  	v9 =	vld [tilespmem:s31+$0x180]  }
0x80: {  	v10 =	vld [tilespmem:s31+$0x200]  }
0x81: {  	v11 =	vld [tilespmem:s31+$0x4180]  }
0x82: {  	v12 =	vld [tilespmem:s31+$0x4080];
	v4 =	vadd.f32 v4, v7  }
0x83: {  	v7 =	vld [tilespmem:s31+$0x4100];
	v5 =	vadd.f32 v5, v8  }
0x84: {  	v8 =	vld [tilespmem:s31+$0x100];
	v4 =	vmul.f32 $5.000000000e-01, v4  }
0x85: {  	v13 =	vld [tilespmem:s31+$0x80];
	v6 =	vadd.f32 v6, v10;
	v5 =	vmul.f32 $5.000000000e-01, v5  }
0x86: {  	v9 =	vadd.f32 v11, v9;
	v10 =	vld [tilespmem:s31+$0x280]  }
0x87: {  	v6 =	vmul.f32 $5.000000000e-01, v6  }
0x88: {  	v9 =	vmul.f32 $5.000000000e-01, v9  }
0x89: {  	v7 =	vadd.f32 v7, v8;
	[tilespmem:s31+$0x8380] =	vst v4  }
0x8a: {  	v4 =	vadd.f32 v12, v13;
	[tilespmem:s31+$0x8300] =	vst v5  }
0x8b: {  	v5 =	vmul.f32 $5.000000000e-01, v7;
	[tilespmem:s31+$0x8200] =	vst v6;
	v3 =	vadd.f32 v3, v10  }
0x8c: {  	v4 =	vmul.f32 $5.000000000e-01, v4;
	[tilespmem:s31+$0x8180] =	vst v9  }
0x8d: {  	[tilespmem:s31+$0x8100] =	vst v5;
	v3 =	vmul.f32 $5.000000000e-01, v3  }
0x8e: {  	s11 =	sor.u32 s12, s2;
	[tilespmem:s31+$0x8080] =	vst v4  }
0x8f: {  	s12 =	sor.u32 $0x380, s11;
	[tilespmem:s31+$0x8280] =	vst v3  }
0x90: {  	v3 =	vld [tilespmem:s12+$0x80]  }
0x91: {  	v4 =	vld [tilespmem:s12+$0x4080];
	_ =	sdelay $0x4  }
0x92: {  	v3 =	vadd.f32 v4, v3;
	_ =	sdelay $0x1  }
0x93: {  	v3 =	vmul.f32 $5.000000000e-01, v3;
	_ =	sdelay $0x1  }
0x94: {  	[tilespmem:s12+$0x8080] =	vst v3  }
.Ltmp0:
0x95: {  	v3 =	vld [tilespmem:s31+$0x2080];
	(pc) =	sbr.rel @p0 .LBB2_2-.Ltmp0, $4  }
0x96: {  	v4 =	vld [tilespmem:s31+$0x6380]  }
0x97: {  	v5 =	vld [tilespmem:s31+$0x2380]  }
0x98: {  	v6 =	vld [tilespmem:s31+$0x6280]  }
0x99: {  	v7 =	vld [tilespmem:s31+$0x2280]  }
0x9a: {  	v8 =	vld [tilespmem:s31+$0x6180]  }
0x9b: {  	v9 =	vld [tilespmem:s31+$0x2180]  }
0x9c: {  	v10 =	vld [tilespmem:s31+$0x2200]  }
0x9d: {  	v11 =	vld [tilespmem:s31+$0x6200]  }
0x9e: {  	v12 =	vld [tilespmem:s31+$0x2300]  }
0x9f: {  	v13 =	vld [tilespmem:s31+$0x6300]  }
0xa0: {  	v14 =	vld [tilespmem:s31+$0x6080]  }
0xa1: {  	v57 =	vld [tilespmem:s31+$0x2100];
	v4 =	vadd.f32 v4, v5  }
0xa2: {  	v58 =	vld [tilespmem:s31+$0x6100];
	v6 =	vadd.f32 v6, v7  }
0xa3: {  	v4 =	vmul.f32 $5.000000000e-01, v4;
	v8 =	vadd.f32 v8, v9  }
0xa4: {  	v10 =	vadd.f32 v11, v10;
	v6 =	vmul.f32 $5.000000000e-01, v6  }
0xa5: {  	v59 =	vadd.f32 v13, v12;
	[tilespmem:s31+$0xA380] =	vst v4;
	v8 =	vmul.f32 $5.000000000e-01, v8  }
0xa6: {  	v3 =	vadd.f32 v14, v3;
	v60 =	vmul.f32 $5.000000000e-01, v10;
	[tilespmem:s31+$0xA280] =	vst v6  }
0xa7: {  	v62 =	vadd.f32 v58, v57;
	v61 =	vmul.f32 $5.000000000e-01, v59;
	[tilespmem:s31+$0xA180] =	vst v8  }
0xa8: {  	v3 =	vmul.f32 $5.000000000e-01, v3;
	[tilespmem:s31+$0xA200] =	vst v60  }
0xa9: {  	v63 =	vmul.f32 $5.000000000e-01, v62;
	[tilespmem:s31+$0xA300] =	vst v61  }
0xaa: {  	[tilespmem:s31+$0xA080] =	vst v3  }
0xab: {  	s0 =	sor.u32 $0x2380, s11;
	[tilespmem:s31+$0xA100] =	vst v63  }
0xac: {  	v3 =	vld [tilespmem:s0+$0x80]  }
0xad: {  	v4 =	vld [tilespmem:s0+$0x4080];
	_ =	sdelay $0x4  }
0xae: {  	v3 =	vadd.f32 v4, v3;
	_ =	sdelay $0x1  }
0xaf: {  	s30 =	sadd.s32 $0x1, s30;
	v3 =	vmul.f32 $5.000000000e-01, v3  }
0xb0: {  	p0 =	sne.s32 s30, s9  }
.Ltmp1:
0xb1: {  	[tilespmem:s0+$0x8080] =	vst v3;
	(pc) =	sbr.rel @p0 .LBB2_1-.Ltmp1, $4  }
0xb2: {  	[hbm4b:s8+s3] =	stream.linear.scatter [tilespmem:s29], [sflag:$0x2], $0x4000, $0x38;
	[tilespmem:$0xC080] =	vst v63  }
0xb3: {  	_ =	swait.ge [sflag:s10], $0x4000  }
0xb4: {  	[sflag:s10] =	ssyncset.done $0x0  }
0xb5: {  	[sflag:s10] =	ssyncadd.s32 $0xFFFFC000  }
0xb6: {  	_ =	sfence.sel $0x180000  }
0xb7: {  	[bflag:$0x0] =	sbarrier.arrive $0xFFFF  }
0xb8: {  	_ =	strace $0x90000047  }
0xb9: {  	s0 =	stileid.u32;
	[bflag:$0x2] =	sbarrier.arrive $0xFFFF  }
0xba: {  	p0 =	sne.s32 s0, $0x0;
	s0 =	rddreg [dreg:$0x3]  }
0xbb: {  	s0 =	sadd.s32 @!p0 $0x100000, s0  }
0xbc: {  	[sflag:s0] =	ssyncadd.tile.s32 @!p0 $0x1;
	_ =	shalt  }
.Lfunc_end2:
_tile_overlayer_lowered:
.L_overlay_start_2:
0xbd: {  	(tag) =	ssettag $0x2  }
0xbe: {  	s0 =	rddreg [dreg:$0x0];
	s2 =	stileid.u32  }
0xbf: {  	s1 =	rddreg [dreg:$0x1];
	p0 =	sne.s32 s2, $0x0  }
0xc0: {  	s3 =	rddreg [dreg:$0x2];
	[bflag:$0x3] =	sbarrier.arrive $0xFFFF;
	s2 =	simm.s32 @!p0 $0x1C02  }
0xc1: {  	[timem:s3], [sflag:s2] =	dma.local @!p0 [hbm:s0], s1  }
0xc2: {  	s0 =	simm.s32 @!p0 $0x2  }
0xc3: {  	_ =	swait.ge @!p0 [sflag:s0], s1  }
0xc4: {  	s1 =	ssub.s32 @!p0 $0x0, s1;
	[sflag:s0] =	ssyncset.done @!p0 $0x0  }
0xc5: {  	[sflag:s0] =	ssyncadd.s32 @!p0 s1  }
0xc6: {  	[bflag:$0x3] =	sbarrier.arrive $0xFFFF  }
0xc7: {  	_ =	shalt  }

</sc_bundles>
